<compile_context>
chip_gen: v7x
topology: tpu7x:2x2x1
jax: 0.10.2.dev20260603
libtpu: 0.0.44.dev20260713+nightly
codegen_flags: <defaults>
</compile_context>

<pallas_src>
import functools

import jax
import jax.numpy as jnp
from jax import lax
from jax.experimental import pallas as pl
from jax.experimental.pallas import tpu as pltpu
from jax.experimental.pallas import tpu_sc as plsc

_LANES = 16


def _sc_build_mask(flat_idx, B, S, NNZ):
    mesh = plsc.VectorSubcoreMesh(core_axis_name="c", subcore_axis_name="s")

    @functools.partial(
        pl.kernel,
        mesh=mesh,
        out_type=jax.ShapeDtypeStruct((B * S,), jnp.float32),
        scratch_types=[
            pltpu.VMEM((2 * NNZ,), jnp.int32),
            pltpu.VMEM((B * S,), jnp.float32),
        ],
        compiler_params=pltpu.CompilerParams(needs_layout_passes=False),
    )
    def k(idx_hbm, out_hbm, idx_v, table_v):
        cid = lax.axis_index("c")
        sid = lax.axis_index("s")

        @pl.when(jnp.logical_and(cid == 0, sid == 0))
        def _():
            pltpu.sync_copy(idx_hbm, idx_v)
            zeros = jnp.zeros((_LANES,), jnp.float32)
            ones = jnp.ones((_LANES,), jnp.float32)

            def zero_body(i, carry):
                table_v[pl.ds(i * _LANES, _LANES)] = zeros
                return carry

            lax.fori_loop(0, (B * S) // _LANES, zero_body, 0)

            def scat_body(i, carry):
                bvec = idx_v[pl.ds(i * _LANES, _LANES)]
                svec = idx_v[pl.ds(NNZ + i * _LANES, _LANES)]
                plsc.store_scatter(table_v, [bvec * S + svec], ones)
                return carry

            lax.fori_loop(0, NNZ // _LANES, scat_body, 0)
            pltpu.sync_copy(table_v, out_hbm)

    return k(flat_idx)


def _tc_addvals(dhs16, w_hh, w_row, factor):
    V, H = w_hh.shape
    VT = 512
    nv = V // VT

    def body(dhs_ref, whh_ref, w_ref, f_ref, out_ref):
        i = pl.program_id(0)
        dec = lax.dot_general(
            dhs_ref[...], whh_ref[...], (((1,), (1,)), ((), ())),
            preferred_element_type=jnp.float32)
        part = jnp.sum(dec * w_ref[...], axis=1)

        @pl.when(i == 0)
        def _():
            out_ref[...] = jnp.zeros_like(out_ref)

        out_ref[...] += (f_ref[0, 0] * part)[:, None]

    return pl.pallas_call(
        body,
        grid=(nv,),
        in_specs=[
            pl.BlockSpec((16, H), lambda i: (0, 0)),
            pl.BlockSpec((VT, H), lambda i: (i, 0)),
            pl.BlockSpec((1, VT), lambda i: (0, i)),
            pl.BlockSpec((1, 1), lambda i: (0, 0)),
        ],
        out_specs=pl.BlockSpec((16, 1), lambda i: (0, 0)),
        out_shape=jax.ShapeDtypeStruct((16, 1), jnp.float32),
    )(dhs16, w_hh, w_row, factor)


def _tc_alpha(bd_hh, w_row, mask_r, addv, s_t):
    B, S, V = bd_hh.shape
    nj = S // s_t

    def body(bd_ref, w_ref, add_ref, av_ref, alpha_ref):
        b = pl.program_id(0)
        j = pl.program_id(1)
        base = lax.dot_general(
            w_ref[...], bd_ref[0], (((1,), (1,)), ((), ())),
            preferred_element_type=jnp.float32)
        alpha_ref[0, :, pl.ds(j * s_t, s_t)] = base + add_ref[0] * av_ref[b]

        @pl.when(j == nj - 1)
        def _():
            r = alpha_ref[0, :, :]
            msk = r != 0.0
            m = jnp.max(jnp.where(msk, r, -jnp.inf))
            m = jnp.where(m == -jnp.inf, 0.0, m)
            e = jnp.where(msk, jnp.exp(r - m), 0.0)
            den = jnp.sum(e)
            alpha_ref[0, :, :] = e / jnp.where(den == 0.0, 1.0, den)

    return pl.pallas_call(
        body,
        grid=(B, nj),
        in_specs=[
            pl.BlockSpec((1, s_t, V), lambda b, j: (b, j, 0)),
            pl.BlockSpec((1, V), lambda b, j: (0, 0)),
            pl.BlockSpec((1, 1, s_t), lambda b, j: (b * nj + j, 0, 0)),
            pl.BlockSpec(memory_space=pltpu.SMEM),
        ],
        out_specs=pl.BlockSpec((1, 1, S), lambda b, j: (b, 0, 0)),
        out_shape=jax.ShapeDtypeStruct((B, 1, S), jnp.float32),
    )(bd_hh, w_row, mask_r, addv)


def _tc_context(alpha3, att, s_t):
    B, S, V = att.shape
    nj = S // s_t

    def body(alpha_ref, att_ref, c_ref):
        j = pl.program_id(1)
        a = alpha_ref[0, :, pl.ds(j * s_t, s_t)]
        part = lax.dot_general(
            a, att_ref[0], (((1,), (0,)), ((), ())),
            preferred_element_type=jnp.float32)

        @pl.when(j == 0)
        def _():
            c_ref[0] = part

        @pl.when(j > 0)
        def _():
            c_ref[0] += part

    return pl.pallas_call(
        body,
        grid=(B, nj),
        in_specs=[
            pl.BlockSpec((1, 1, S), lambda b, j: (b, 0, 0)),
            pl.BlockSpec((1, s_t, V), lambda b, j: (b, j, 0)),
        ],
        out_specs=pl.BlockSpec((1, 1, V), lambda b, j: (b, 0, 0)),
        out_shape=jax.ShapeDtypeStruct((B, 1, V), jnp.float32),
    )(alpha3, att)


def kernel(Decoder_Hidden_State, Batch_decoder_input_hh, Batch_Decoder_Input_Attender, sparse_indices, sparse_val, W_hh, W_map):
    B, S, V = Batch_decoder_input_hh.shape
    H = Decoder_Hidden_State.shape[1]
    NNZ = sparse_indices.shape[1]
    s_t = 512
    nj = S // s_t

    factor = jnp.where(jnp.asarray(sparse_val) == 1, 1.0, 2.0)
    factor = factor.astype(jnp.float32).reshape(1, 1)
    dhs16 = jnp.pad(Decoder_Hidden_State, ((0, _LANES - B), (0, 0)))
    addv = _tc_addvals(dhs16, W_hh, W_map, factor).reshape(_LANES)

    flat_idx = sparse_indices.astype(jnp.int32).reshape(-1)
    mask = _sc_build_mask(flat_idx, B, S, NNZ)
    mask_r = mask.reshape(B * nj, 1, s_t)

    alpha3 = _tc_alpha(Batch_decoder_input_hh, W_map, mask_r, addv, s_t)
    c3 = _tc_context(alpha3, Batch_Decoder_Input_Attender, s_t)
    return c3.reshape(B, V), alpha3.reshape(B, S, 1)

# --- scband reference (transcript-rebuilt; emitter-appended) ---
"""Pipeline reference for scband-bahadanau-attention-29523605192707 (READ-ONLY COPY).

The authoritative reference and input builder live on the scoring server;
editing this copy changes nothing except your own understanding.
"""

import jax, jax.numpy as jnp
import numpy as np

B = 4
S = 2048
H = 2048
V = 2048
NNZ = 4096


def setup_inputs(seed: int = 0) -> dict:
    key = jax.random.key(seed)
    ks = jax.random.split(key, 8)
    Decoder_Hidden_State = jax.random.normal(ks[0], (B, H), dtype=jnp.float32)
    Batch_decoder_input_hh = jax.random.normal(ks[1], (B, S, V), dtype=jnp.float32)
    Batch_Decoder_Input_Attender = jax.random.normal(ks[2], (B, S, V), dtype=jnp.float32)
    row_b = jax.random.randint(ks[3], (NNZ,), 0, B, dtype=jnp.int32)
    row_s = jax.random.randint(ks[4], (NNZ,), 0, S, dtype=jnp.int32)
    sparse_indices = jnp.stack([row_b, row_s], axis=0)
    W_hh = jax.random.normal(ks[5], (V, H), dtype=jnp.float32) * (1.0 / np.sqrt(H))
    W_map = jax.random.normal(ks[6], (1, V), dtype=jnp.float32) * (1.0 / np.sqrt(V))
    return {
        "Decoder_Hidden_State": Decoder_Hidden_State,
        "Batch_decoder_input_hh": Batch_decoder_input_hh,
        "Batch_Decoder_Input_Attender": Batch_Decoder_Input_Attender,
        "sparse_indices": sparse_indices,
        "sparse_val": 0,
        "W_hh": W_hh,
        "W_map": W_map,
    }


def reference(Decoder_Hidden_State, Batch_decoder_input_hh, Batch_Decoder_Input_Attender, sparse_indices, sparse_val, W_hh, W_map):
    # decoder_hidden_state_mlp (Linear, no bias): [B, H] @ [H, V] -> [B, V]
    decoder_output_hh = Decoder_Hidden_State @ W_hh.T
    b_idx = sparse_indices[0]
    s_idx = sparse_indices[1]
    # scatter-overwrite: decoder_output_hh_sparse[b, s, :] = decoder_output_hh[b, :]
    decoder_output_hh_sparse = jnp.zeros_like(Batch_decoder_input_hh).at[b_idx, s_idx, :].set(decoder_output_hh[b_idx, :])
    in_hh = jnp.where(sparse_val == 1, Batch_decoder_input_hh, Batch_decoder_input_hh + decoder_output_hh_sparse)
    sum_val_hh = decoder_output_hh_sparse + in_hh
    # decoder_mapper_mlp: [B, S, V] @ [V, 1] -> [B, S, 1]
    scores = sum_val_hh @ W_map.T
    # torch.sparse.softmax over dim=1: zero entries are treated as unspecified (-inf)
    mask = scores != 0
    m = jnp.max(jnp.where(mask, scores, -jnp.inf), axis=1, keepdims=True)
    m = jnp.where(jnp.isfinite(m), m, 0.0)
    e = jnp.where(mask, jnp.exp(jnp.where(mask, scores, 0.0) - m), 0.0)
    denom = jnp.sum(e, axis=1, keepdims=True)
    alpha = e / jnp.where(denom == 0, 1.0, denom)
    # torch.sparse.sum(Attender * alpha, dim=1) -> dense equivalent [B, V]
    c_bahadanau = jnp.sum(Batch_Decoder_Input_Attender * alpha, axis=1)
    return (c_bahadanau, alpha)

if __name__ == "__main__":
    import jax
    _d = setup_inputs()
    print(jax.jit(kernel)(*tuple(_d.values())))

</pallas_src>

<mosaic_0001>
#map = affine_map<(d0, d1) -> (0)>
module attributes {stable_mosaic.version = 14 : i64} {
  func.func @k(%arg0: i32, %arg1: i32, %arg2: memref<8192xi32, #tpu.memory_space<hbm>>, %arg3: memref<8192xf32, #tpu.memory_space<hbm>>, %arg4: memref<8192xi32, #tpu.memory_space<vmem>>, %arg5: memref<8192xf32, #tpu.memory_space<vmem>>) attributes {dimension_semantics = [#tpu.dimension_semantics<core_parallel>, #tpu.dimension_semantics<subcore_parallel>], iteration_bounds = array<i64: 2, 16>, scalar_prefetch = 0 : i64, scratch_operands = 2 : i64, tpu.core_type = #tpu.core_type<sc_vector_subcore>, window_params = [{transform_indices = #map}, {transform_indices = #map}]} {
    %eq3A = arith.constant 0 : i32
    %eq3A_0 = arith.cmpi eq, %arg0, %eq3A : i32
    %eq3A_1 = arith.constant 0 : i32
    %eq3A_2 = arith.cmpi eq, %arg1, %eq3A_1 : i32
    %and3A = arith.andi %eq3A_0, %eq3A_2 : i1
    %convert_element_type3A = arith.extui %and3A : i1 to i32
    %cond3A = arith.constant 0 : i32
    %cond3A_3 = arith.cmpi ne, %convert_element_type3A, %cond3A : i32
    scf.if %cond3A_3 {
      "tpu.region"() ({
        %run_scoped3A = tpu.sem_alloc : memref<!tpu.dma_semaphore, #tpu.memory_space<semaphore_mem>>
        tpu.enqueue_dma source(%arg2 : memref<8192xi32, #tpu.memory_space<hbm>>) target(%arg4 : memref<8192xi32, #tpu.memory_space<vmem>>) target_semaphore(%run_scoped3A : memref<!tpu.dma_semaphore, #tpu.memory_space<semaphore_mem>>)
        tpu.wait_dma2 semaphore(%run_scoped3A : memref<!tpu.dma_semaphore, #tpu.memory_space<semaphore_mem>>) src(%arg2 : memref<8192xi32, #tpu.memory_space<hbm>>) dst(%arg4 : memref<8192xi32, #tpu.memory_space<vmem>>)
        tpu.yield
      }) : () -> ()
      %broadcast_in_dim3A = arith.constant 0.000000e+00 : f32
      %broadcast_in_dim3A_4 = vector.broadcast %broadcast_in_dim3A : f32 to vector<16xf32>
      %broadcast_in_dim3A_5 = arith.constant 1.000000e+00 : f32
      %broadcast_in_dim3A_6 = vector.broadcast %broadcast_in_dim3A_5 : f32 to vector<16xf32>
      %scan3A = arith.constant 0 : i32
      %scan3A_7 = arith.constant 0 : i32
      %scan3A_8 = arith.constant 512 : i32
      %scan3A_9 = arith.addi %scan3A_7, %scan3A_8 : i32
      %scan3A_10 = arith.constant 1 : i32
      scf.for %scan3A_18 = %scan3A_7 to %scan3A_9 step %scan3A_10  : i32 {
        %mul3A = arith.constant 16 : i32
        %mul3A_19 = arith.muli %scan3A_18, %mul3A : i32
        %swap3A = arith.index_cast %mul3A_19 : i32 to index
        %swap3A_20 = tpu.vector_load %arg5[%swap3A] {strides = array<i32>} : memref<8192xf32, #tpu.memory_space<vmem>>, vector<16xf32>,
        tpu.vector_store %arg5[%swap3A], %broadcast_in_dim3A_4 {strides = array<i32>} : memref<8192xf32, #tpu.memory_space<vmem>>, vector<16xf32>,
      }
      %scan3A_11 = arith.constant 512 : i32
      %scan3A_12 = arith.constant 0 : i32
      %scan3A_13 = arith.constant 0 : i32
      %scan3A_14 = arith.constant 256 : i32
      %scan3A_15 = arith.addi %scan3A_13, %scan3A_14 : i32
      %scan3A_16 = arith.constant 1 : i32
      scf.for %scan3A_18 = %scan3A_13 to %scan3A_15 step %scan3A_16  : i32 {
        %mul3A = arith.constant 16 : i32
        %mul3A_19 = arith.muli %scan3A_18, %mul3A : i32
        %get3A = arith.index_cast %mul3A_19 : i32 to index
        %get3A_20 = tpu.vector_load %arg4[%get3A] {strides = array<i32>} : memref<8192xi32, #tpu.memory_space<vmem>>, vector<16xi32>,
        %mul3A_21 = arith.constant 16 : i32
        %mul3A_22 = arith.muli %scan3A_18, %mul3A_21 : i32
        %add3A = arith.constant 4096 : i32
        %add3A_23 = arith.addi %add3A, %mul3A_22 : i32
        %get3A_24 = arith.index_cast %add3A_23 : i32 to index
        %get3A_25 = tpu.vector_load %arg4[%get3A_24] {strides = array<i32>} : memref<8192xi32, #tpu.memory_space<vmem>>, vector<16xi32>,
        %mul3A_26 = arith.constant 2048 : i32
        %mul3A_27 = vector.broadcast %mul3A_26 : i32 to vector<16xi32>
        %mul3A_28 = arith.muli %get3A_20, %mul3A_27 : vector<16xi32>
        %add3A_29 = arith.addi %mul3A_28, %get3A_25 : vector<16xi32>
        tpu.vector_store_idx %arg5[%add3A_29], %broadcast_in_dim3A_6 : memref<8192xf32, #tpu.memory_space<vmem>>[vector<16xi32>], vector<16xf32>,
      }
      %scan3A_17 = arith.constant 256 : i32
      "tpu.region"() ({
        %run_scoped3A = tpu.sem_alloc : memref<!tpu.dma_semaphore, #tpu.memory_space<semaphore_mem>>
        tpu.enqueue_dma source(%arg5 : memref<8192xf32, #tpu.memory_space<vmem>>) target(%arg3 : memref<8192xf32, #tpu.memory_space<hbm>>) target_semaphore(%run_scoped3A : memref<!tpu.dma_semaphore, #tpu.memory_space<semaphore_mem>>)
        tpu.wait_dma2 semaphore(%run_scoped3A : memref<!tpu.dma_semaphore, #tpu.memory_space<semaphore_mem>>) src(%arg5 : memref<8192xf32, #tpu.memory_space<vmem>>) dst(%arg3 : memref<8192xf32, #tpu.memory_space<hbm>>)
        tpu.yield
      }) : () -> ()
    } else {
    }
    return
  }
}

module attributes {stable_mosaic.version = 14 : i64} {
  func.func @body(%arg0: i32, %arg1: memref<16x2048xf32, #tpu.memory_space<vmem>>, %arg2: memref<512x2048xf32, #tpu.memory_space<vmem>>, %arg3: memref<1x512xf32, #tpu.memory_space<vmem>>, %arg4: memref<1x1xf32, #tpu.memory_space<vmem>>, %arg5: memref<16x1xf32, #tpu.memory_space<vmem>>) attributes {dimension_semantics = [#tpu.dimension_semantics<arbitrary>], iteration_bounds = array<i64: 4>, scalar_prefetch = 0 : i64, scratch_operands = 0 : i64, tpu.core_type = #tpu.core_type<tc>, window_params = [{pipeline_mode = #tpu.pipeline_mode<synchronous>, transform_indices = @transform_0, window_bounds = array<i64: 16, 2048>}, {transform_indices = @transform_1, window_bounds = array<i64: 512, 2048>}, {transform_indices = @transform_2, window_bounds = array<i64: 1, 512>}, {pipeline_mode = #tpu.pipeline_mode<synchronous>, transform_indices = @transform_3, window_bounds = array<i64: 1, 1>}, {pipeline_mode = #tpu.pipeline_mode<synchronous>, transform_indices = @transform_4, window_bounds = array<i64: 16, 1>}]} {
    %get3A = arith.constant 0 : index
    %get3A_0 = arith.constant 0 : index
    %get3A_1 = vector.load %arg1[%get3A, %get3A_0] : memref<16x2048xf32, #tpu.memory_space<vmem>>, vector<16x2048xf32>
    %get3A_2 = arith.constant 0 : index
    %get3A_3 = arith.constant 0 : index
    %get3A_4 = vector.load %arg2[%get3A_2, %get3A_3] : memref<512x2048xf32, #tpu.memory_space<vmem>>, vector<512x2048xf32>
    %dot_general3A = arith.constant dense<0.000000e+00> : vector<16x512xf32>
    %dot_general3A_5 = tpu.matmul %get3A_1, %get3A_4, %dot_general3A {dimension_numbers = #tpu.dot_dimension_numbers<[1], [1], [0], [0], [0, 0, 1, 0], [], []>, transpose_lhs_hint = false} : vector<16x2048xf32>, vector<512x2048xf32>, vector<16x512xf32> -> vector<16x512xf32>
    %get3A_6 = arith.constant 0 : index
    %get3A_7 = arith.constant 0 : index
    %get3A_8 = vector.load %arg3[%get3A_6, %get3A_7] : memref<1x512xf32, #tpu.memory_space<vmem>>, vector<1x512xf32>
    %mul3A = vector.broadcast %get3A_8 : vector<1x512xf32> to vector<16x512xf32>
    %mul3A_9 = arith.mulf %dot_general3A_5, %mul3A : vector<16x512xf32>
    %reduce_sum3A = arith.constant dense<0.000000e+00> : vector<16xf32>
    %reduce_sum3A_10 = vector.multi_reduction <add>, %mul3A_9, %reduce_sum3A [1] : vector<16x512xf32> to vector<16xf32>
    %eq3A = arith.constant 0 : i32
    %eq3A_11 = arith.cmpi eq, %arg0, %eq3A : i32
    %convert_element_type3A = arith.extui %eq3A_11 : i1 to i32
    %cond3A = arith.constant 0 : i32
    %cond3A_12 = arith.cmpi ne, %convert_element_type3A, %cond3A : i32
    scf.if %cond3A_12 {
      %broadcast_in_dim3A_24 = arith.constant 0.000000e+00 : f32
      %broadcast_in_dim3A_25 = vector.broadcast %broadcast_in_dim3A_24 : f32 to vector<16x1xf32>
      %swap3A_26 = arith.constant 0 : index
      %swap3A_27 = arith.constant 0 : index
      %swap3A_28 = vector.load %arg5[%swap3A_26, %swap3A_27] : memref<16x1xf32, #tpu.memory_space<vmem>>, vector<16x1xf32>
      tpu.vector_store %arg5[%swap3A_26, %swap3A_27], %broadcast_in_dim3A_25 {strides = array<i32>} : memref<16x1xf32, #tpu.memory_space<vmem>>, vector<16x1xf32>,
    } else {
    }
    %get3A_13 = arith.constant 0 : index
    %get3A_14 = arith.constant 0 : index
    %get3A_15 = vector.load %arg5[%get3A_13, %get3A_14] : memref<16x1xf32, #tpu.memory_space<vmem>>, vector<16x1xf32>
    %get3A_16 = arith.constant 0 : index
    %get3A_17 = arith.constant 0 : index
    %get3A_18 = vector.load %arg4[%get3A_16, %get3A_17] : memref<1x1xf32, #tpu.memory_space<vmem>>, vector<1x1xf32>
    %get3A_19 = vector.extract %get3A_18[0, 0] : f32 from vector<1x1xf32>
    %mul3A_20 = vector.broadcast %get3A_19 : f32 to vector<16xf32>
    %mul3A_21 = arith.mulf %mul3A_20, %reduce_sum3A_10 : vector<16xf32>
    %broadcast_in_dim3A = vector.shape_cast %mul3A_21 : vector<16xf32> to vector<16x1xf32>
    %add3A = arith.addf %get3A_15, %broadcast_in_dim3A : vector<16x1xf32>
    %swap3A = arith.constant 0 : index
    %swap3A_22 = arith.constant 0 : index
    %swap3A_23 = vector.load %arg5[%swap3A, %swap3A_22] : memref<16x1xf32, #tpu.memory_space<vmem>>, vector<16x1xf32>
    tpu.vector_store %arg5[%swap3A, %swap3A_22], %add3A {strides = array<i32>} : memref<16x1xf32, #tpu.memory_space<vmem>>, vector<16x1xf32>,
    return
  }
  func.func @transform_0(%arg0: i32) -> (i32, i32) {
    %c0_i32 = arith.constant 0 : i32
    %c0_i32_0 = arith.constant 0 : i32
    %c0_i32_1 = arith.constant 0 : i32
    return %c0_i32, %c0_i32_0 : i32, i32
  }
  func.func @transform_1(%arg0: i32) -> (i32, i32) {
    %c0_i32 = arith.constant 0 : i32
    %c0_i32_0 = arith.constant 0 : i32
    return %arg0, %c0_i32 : i32, i32
  }
  func.func @transform_2(%arg0: i32) -> (i32, i32) {
    %c0_i32 = arith.constant 0 : i32
    %c0_i32_0 = arith.constant 0 : i32
    return %c0_i32, %arg0 : i32, i32
  }
  func.func @transform_3(%arg0: i32) -> (i32, i32) {
    %c0_i32 = arith.constant 0 : i32
    %c0_i32_0 = arith.constant 0 : i32
    %c0_i32_1 = arith.constant 0 : i32
    return %c0_i32, %c0_i32_0 : i32, i32
  }
  func.func @transform_4(%arg0: i32) -> (i32, i32) {
    %c0_i32 = arith.constant 0 : i32
    %c0_i32_0 = arith.constant 0 : i32
    %c0_i32_1 = arith.constant 0 : i32
    return %c0_i32, %c0_i32_0 : i32, i32
  }
}

module attributes {stable_mosaic.version = 14 : i64} {
  func.func @body(%arg0: i32, %arg1: i32, %arg2: memref<1x1x2048xf32, #tpu.memory_space<vmem>>, %arg3: memref<1x512x2048xf32, #tpu.memory_space<vmem>>, %arg4: memref<1x1x2048xf32, #tpu.memory_space<vmem>>) attributes {dimension_semantics = [#tpu.dimension_semantics<arbitrary>, #tpu.dimension_semantics<arbitrary>], iteration_bounds = array<i64: 4, 4>, scalar_prefetch = 0 : i64, scratch_operands = 0 : i64, tpu.core_type = #tpu.core_type<tc>, window_params = [{transform_indices = @transform_0, window_bounds = array<i64: 1, 1, 2048>}, {transform_indices = @transform_1, window_bounds = array<i64: 1, 512, 2048>}, {transform_indices = @transform_2, window_bounds = array<i64: 1, 1, 2048>}]} {
    %mul3A = arith.constant 512 : i32
    %mul3A_0 = arith.muli %arg1, %mul3A : i32
    %get3A = arith.constant 0 : index
    %get3A_1 = arith.constant 0 : index
    %get3A_2 = arith.index_cast %mul3A_0 : i32 to index
    %get3A_3 = vector.load %arg2[%get3A, %get3A_1, %get3A_2] : memref<1x1x2048xf32, #tpu.memory_space<vmem>>, vector<1x1x512xf32>
    %get3A_4 = vector.shape_cast %get3A_3 : vector<1x1x512xf32> to vector<1x512xf32>
    %get3A_5 = arith.constant 0 : index
    %get3A_6 = arith.constant 0 : index
    %get3A_7 = arith.constant 0 : index
    %get3A_8 = vector.load %arg3[%get3A_5, %get3A_6, %get3A_7] : memref<1x512x2048xf32, #tpu.memory_space<vmem>>, vector<1x512x2048xf32>
    %get3A_9 = vector.shape_cast %get3A_8 : vector<1x512x2048xf32> to vector<512x2048xf32>
    %dot_general3A = arith.constant dense<0.000000e+00> : vector<1x2048xf32>
    %dot_general3A_10 = tpu.matmul %get3A_4, %get3A_9, %dot_general3A {dimension_numbers = #tpu.dot_dimension_numbers<[1], [0], [0], [1], [0, 0, 1, 1], [], []>, transpose_lhs_hint = false} : vector<1x512xf32>, vector<512x2048xf32>, vector<1x2048xf32> -> vector<1x2048xf32>
    %eq3A = arith.constant 0 : i32
    %eq3A_11 = arith.cmpi eq, %arg1, %eq3A : i32
    %convert_element_type3A = arith.extui %eq3A_11 : i1 to i32
    %cond3A = arith.constant 0 : i32
    %cond3A_12 = arith.cmpi ne, %convert_element_type3A, %cond3A : i32
    scf.if %cond3A_12 {
      %swap3A = arith.constant 0 : index
      %swap3A_17 = arith.constant 0 : index
      %swap3A_18 = arith.constant 0 : index
      %swap3A_19 = vector.load %arg4[%swap3A, %swap3A_17, %swap3A_18] : memref<1x1x2048xf32, #tpu.memory_space<vmem>>, vector<1x1x2048xf32>
      %swap3A_20 = vector.shape_cast %swap3A_19 : vector<1x1x2048xf32> to vector<1x2048xf32>
      %swap3A_21 = vector.shape_cast %dot_general3A_10 : vector<1x2048xf32> to vector<1x1x2048xf32>
      tpu.vector_store %arg4[%swap3A, %swap3A_17, %swap3A_18], %swap3A_21 {strides = array<i32>} : memref<1x1x2048xf32, #tpu.memory_space<vmem>>, vector<1x1x2048xf32>,
    } else {
    }
    %gt3A = arith.constant 0 : i32
    %gt3A_13 = arith.cmpi sgt, %arg1, %gt3A : i32
    %convert_element_type3A_14 = arith.extui %gt3A_13 : i1 to i32
    %cond3A_15 = arith.constant 0 : i32
    %cond3A_16 = arith.cmpi ne, %convert_element_type3A_14, %cond3A_15 : i32
    scf.if %cond3A_16 {
      %get3A_17 = arith.constant 0 : index
      %get3A_18 = arith.constant 0 : index
      %get3A_19 = arith.constant 0 : index
      %get3A_20 = vector.load %arg4[%get3A_17, %get3A_18, %get3A_19] : memref<1x1x2048xf32, #tpu.memory_space<vmem>>, vector<1x1x2048xf32>
      %get3A_21 = vector.shape_cast %get3A_20 : vector<1x1x2048xf32> to vector<1x2048xf32>
      %add3A = arith.addf %get3A_21, %dot_general3A_10 : vector<1x2048xf32>
      %swap3A = arith.constant 0 : index
      %swap3A_22 = arith.constant 0 : index
      %swap3A_23 = arith.constant 0 : index
      %swap3A_24 = vector.load %arg4[%swap3A, %swap3A_22, %swap3A_23] : memref<1x1x2048xf32, #tpu.memory_space<vmem>>, vector<1x1x2048xf32>
      %swap3A_25 = vector.shape_cast %swap3A_24 : vector<1x1x2048xf32> to vector<1x2048xf32>
      %swap3A_26 = vector.shape_cast %add3A : vector<1x2048xf32> to vector<1x1x2048xf32>
      tpu.vector_store %arg4[%swap3A, %swap3A_22, %swap3A_23], %swap3A_26 {strides = array<i32>} : memref<1x1x2048xf32, #tpu.memory_space<vmem>>, vector<1x1x2048xf32>,
    } else {
    }
    return
  }
  func.func @transform_0(%arg0: i32, %arg1: i32) -> (i32, i32, i32) {
    %c0_i32 = arith.constant 0 : i32
    %c0_i32_0 = arith.constant 0 : i32
    %c0_i32_1 = arith.constant 0 : i32
    return %arg0, %c0_i32, %c0_i32_0 : i32, i32, i32
  }
  func.func @transform_1(%arg0: i32, %arg1: i32) -> (i32, i32, i32) {
    %c0_i32 = arith.constant 0 : i32
    %c0_i32_0 = arith.constant 0 : i32
    return %arg0, %arg1, %c0_i32 : i32, i32, i32
  }
  func.func @transform_2(%arg0: i32, %arg1: i32) -> (i32, i32, i32) {
    %c0_i32 = arith.constant 0 : i32
    %c0_i32_0 = arith.constant 0 : i32
    %c0_i32_1 = arith.constant 0 : i32
    return %arg0, %c0_i32, %c0_i32_0 : i32, i32, i32
  }
}

module attributes {stable_mosaic.version = 14 : i64} {
  func.func @body(%arg0: i32, %arg1: i32, %arg2: memref<1x512x2048xf32, #tpu.memory_space<vmem>>, %arg3: memref<1x2048xf32, #tpu.memory_space<vmem>>, %arg4: memref<1x1x512xf32, #tpu.memory_space<vmem>>, %arg5: memref<16xf32, #tpu.memory_space<smem>>, %arg6: memref<1x1x2048xf32, #tpu.memory_space<vmem>>) attributes {dimension_semantics = [#tpu.dimension_semantics<arbitrary>, #tpu.dimension_semantics<arbitrary>], iteration_bounds = array<i64: 4, 4>, scalar_prefetch = 0 : i64, scratch_operands = 0 : i64, tpu.core_type = #tpu.core_type<tc>, window_params = [{transform_indices = @transform_0, window_bounds = array<i64: 1, 512, 2048>}, {pipeline_mode = #tpu.pipeline_mode<synchronous>, transform_indices = @transform_1, window_bounds = array<i64: 1, 2048>}, {transform_indices = @transform_2, window_bounds = array<i64: 1, 1, 512>}, {transform_indices = @transform_3, window_bounds = array<i64: 16>}, {transform_indices = @transform_4, window_bounds = array<i64: 1, 1, 2048>}]} {
    %get3A = arith.constant 0 : index
    %get3A_0 = arith.constant 0 : index
    %get3A_1 = vector.load %arg3[%get3A, %get3A_0] : memref<1x2048xf32, #tpu.memory_space<vmem>>, vector<1x2048xf32>
    %get3A_2 = arith.constant 0 : index
    %get3A_3 = arith.constant 0 : index
    %get3A_4 = arith.constant 0 : index
    %get3A_5 = vector.load %arg2[%get3A_2, %get3A_3, %get3A_4] : memref<1x512x2048xf32, #tpu.memory_space<vmem>>, vector<1x512x2048xf32>
    %get3A_6 = vector.shape_cast %get3A_5 : vector<1x512x2048xf32> to vector<512x2048xf32>
    %dot_general3A = arith.constant dense<0.000000e+00> : vector<1x512xf32>
    %dot_general3A_7 = tpu.matmul %get3A_1, %get3A_6, %dot_general3A {dimension_numbers = #tpu.dot_dimension_numbers<[1], [1], [0], [0], [0, 0, 1, 0], [], []>, transpose_lhs_hint = false} : vector<1x2048xf32>, vector<512x2048xf32>, vector<1x512xf32> -> vector<1x512xf32>
    %get3A_8 = arith.constant 0 : index
    %get3A_9 = arith.constant 0 : index
    %get3A_10 = arith.constant 0 : index
    %get3A_11 = vector.load %arg4[%get3A_8, %get3A_9, %get3A_10] : memref<1x1x512xf32, #tpu.memory_space<vmem>>, vector<1x1x512xf32>
    %get3A_12 = vector.shape_cast %get3A_11 : vector<1x1x512xf32> to vector<1x512xf32>
    %get3A_13 = arith.index_cast %arg0 : i32 to index
    %get3A_14 = memref.load %arg5[%get3A_13] : memref<16xf32, #tpu.memory_space<smem>>
    %mul3A = vector.broadcast %get3A_14 : f32 to vector<1x512xf32>
    %mul3A_15 = arith.mulf %get3A_12, %mul3A : vector<1x512xf32>
    %add3A = arith.addf %dot_general3A_7, %mul3A_15 : vector<1x512xf32>
    %mul3A_16 = arith.constant 512 : i32
    %mul3A_17 = arith.muli %arg1, %mul3A_16 : i32
    %swap3A = arith.constant 0 : index
    %swap3A_18 = arith.constant 0 : index
    %swap3A_19 = arith.index_cast %mul3A_17 : i32 to index
    %swap3A_20 = vector.load %arg6[%swap3A, %swap3A_18, %swap3A_19] : memref<1x1x2048xf32, #tpu.memory_space<vmem>>, vector<1x1x512xf32>
    %swap3A_21 = vector.shape_cast %swap3A_20 : vector<1x1x512xf32> to vector<1x512xf32>
    %swap3A_22 = vector.shape_cast %add3A : vector<1x512xf32> to vector<1x1x512xf32>
    tpu.vector_store %arg6[%swap3A, %swap3A_18, %swap3A_19], %swap3A_22 {strides = array<i32>} : memref<1x1x2048xf32, #tpu.memory_space<vmem>>, vector<1x1x512xf32>,
    %eq3A = arith.constant 3 : i32
    %eq3A_23 = arith.cmpi eq, %arg1, %eq3A : i32
    %convert_element_type3A = arith.extui %eq3A_23 : i1 to i32
    %cond3A = arith.constant 0 : i32
    %cond3A_24 = arith.cmpi ne, %convert_element_type3A, %cond3A : i32
    scf.if %cond3A_24 {
      %get3A_25 = arith.constant 0 : index
      %get3A_26 = arith.constant 0 : index
      %get3A_27 = arith.constant 0 : index
      %get3A_28 = vector.load %arg6[%get3A_25, %get3A_26, %get3A_27] : memref<1x1x2048xf32, #tpu.memory_space<vmem>>, vector<1x1x2048xf32>
      %get3A_29 = vector.shape_cast %get3A_28 : vector<1x1x2048xf32> to vector<1x2048xf32>
      %ne3A = arith.constant 0.000000e+00 : f32
      %ne3A_30 = vector.broadcast %ne3A : f32 to vector<1x2048xf32>
      %ne3A_31 = arith.cmpf one, %get3A_29, %ne3A_30 : vector<1x2048xf32>
      %jit3A = arith.constant 0xFF800000 : f32
      %broadcast_in_dim3A = vector.broadcast %jit3A : f32 to vector<1x2048xf32>
      %select_n3A = arith.select %ne3A_31, %get3A_29, %broadcast_in_dim3A : vector<1x2048xi1>, vector<1x2048xf32>
      %reduce_max3A = vector.shape_cast %select_n3A : vector<1x2048xf32> to vector<1x1x2048xf32>
      %reduce_max3A_32 = arith.constant dense<0xFF800000> : vector<1xf32>
      %reduce_max3A_33 = vector.multi_reduction <maximumf>, %reduce_max3A, %reduce_max3A_32 [1, 2] : vector<1x1x2048xf32> to vector<1xf32>
      %reduce_max3A_34 = vector.shape_cast %reduce_max3A_33 : vector<1xf32> to vector<1x1x1xf32>
      %reduce_max3A_35 = vector.extract %reduce_max3A_34[0, 0, 0] : f32 from vector<1x1x1xf32>
      %eq3A_36 = arith.constant 0xFF800000 : f32
      %eq3A_37 = arith.cmpf oeq, %reduce_max3A_35, %eq3A_36 : f32
      %jit3A_38 = arith.constant 0.000000e+00 : f32
      %select_n3A_39 = arith.select %eq3A_37, %jit3A_38, %reduce_max3A_35 : f32
      %sub3A = vector.broadcast %select_n3A_39 : f32 to vector<1x2048xf32>
      %sub3A_40 = arith.subf %get3A_29, %sub3A : vector<1x2048xf32>
      %exp3A = math.exp %sub3A_40 : vector<1x2048xf32>
      %jit3A_41 = arith.constant 0.000000e+00 : f32
      %broadcast_in_dim3A_42 = vector.broadcast %jit3A_41 : f32 to vector<1x2048xf32>
      %select_n3A_43 = arith.select %ne3A_31, %exp3A, %broadcast_in_dim3A_42 : vector<1x2048xi1>, vector<1x2048xf32>
      %reduce_sum3A = vector.shape_cast %select_n3A_43 : vector<1x2048xf32> to vector<1x1x2048xf32>
      %reduce_sum3A_44 = arith.constant dense<0.000000e+00> : vector<1xf32>
      %reduce_sum3A_45 = vector.multi_reduction <add>, %reduce_sum3A, %reduce_sum3A_44 [1, 2] : vector<1x1x2048xf32> to vector<1xf32>
      %reduce_sum3A_46 = vector.shape_cast %reduce_sum3A_45 : vector<1xf32> to vector<1x1x1xf32>
      %reduce_sum3A_47 = vector.extract %reduce_sum3A_46[0, 0, 0] : f32 from vector<1x1x1xf32>
      %eq3A_48 = arith.constant 0.000000e+00 : f32
      %eq3A_49 = arith.cmpf oeq, %reduce_sum3A_47, %eq3A_48 : f32
      %jit3A_50 = arith.constant 1.000000e+00 : f32
      %select_n3A_51 = arith.select %eq3A_49, %jit3A_50, %reduce_sum3A_47 : f32
      %div3A = vector.broadcast %select_n3A_51 : f32 to vector<1x2048xf32>
      %div3A_52 = arith.divf %select_n3A_43, %div3A : vector<1x2048xf32>
      %swap3A_53 = arith.constant 0 : index
      %swap3A_54 = arith.constant 0 : index
      %swap3A_55 = arith.constant 0 : index
      %swap3A_56 = vector.load %arg6[%swap3A_53, %swap3A_54, %swap3A_55] : memref<1x1x2048xf32, #tpu.memory_space<vmem>>, vector<1x1x2048xf32>
      %swap3A_57 = vector.shape_cast %swap3A_56 : vector<1x1x2048xf32> to vector<1x2048xf32>
      %swap3A_58 = vector.shape_cast %div3A_52 : vector<1x2048xf32> to vector<1x1x2048xf32>
      tpu.vector_store %arg6[%swap3A_53, %swap3A_54, %swap3A_55], %swap3A_58 {strides = array<i32>} : memref<1x1x2048xf32, #tpu.memory_space<vmem>>, vector<1x1x2048xf32>,
    } else {
    }
    return
  }
  func.func @transform_0(%arg0: i32, %arg1: i32) -> (i32, i32, i32) {
    %c0_i32 = arith.constant 0 : i32
    %c0_i32_0 = arith.constant 0 : i32
    return %arg0, %arg1, %c0_i32 : i32, i32, i32
  }
  func.func @transform_1(%arg0: i32, %arg1: i32) -> (i32, i32) {
    %c0_i32 = arith.constant 0 : i32
    %c0_i32_0 = arith.constant 0 : i32
    %c0_i32_1 = arith.constant 0 : i32
    return %c0_i32, %c0_i32_0 : i32, i32
  }
  func.func @transform_2(%arg0: i32, %arg1: i32) -> (i32, i32, i32) {
    %mul3A = arith.constant 4 : i32
    %mul3A_0 = arith.muli %arg0, %mul3A : i32
    %add3A = arith.addi %mul3A_0, %arg1 : i32
    %c0_i32 = arith.constant 0 : i32
    %c0_i32_1 = arith.constant 0 : i32
    %c0_i32_2 = arith.constant 0 : i32
    return %add3A, %c0_i32, %c0_i32_1 : i32, i32, i32
  }
  func.func @transform_3(%arg0: i32, %arg1: i32) -> i32 {
    %c0_i32 = arith.constant 0 : i32
    %c0_i32_0 = arith.constant 0 : i32
    return %c0_i32 : i32
  }
  func.func @transform_4(%arg0: i32, %arg1: i32) -> (i32, i32, i32) {
    %c0_i32 = arith.constant 0 : i32
    %c0_i32_0 = arith.constant 0 : i32
    %c0_i32_1 = arith.constant 0 : i32
    return %arg0, %c0_i32, %c0_i32_0 : i32, i32, i32
  }
}

</mosaic_0001>

<sc_bundles>
// kernel: kernel.6.cloned.1.call-start
scs
__scs_entry_jumppad:
0x0: {  	(pc) =	sbr.rel $0x88, $3  }
0x1: {  	(tag) =	ssettag $0x0;
	lr =	simm.s32 $0x1  }
0x2: {  	[smem:$0x3F9A] =	sst lr;
	_ =	strace $0xD0000000  }
0x3: {  	_ = 	snop  }
0x4: {  	_ = 	snop  }
0x5: {  	_ = 	snop  }
0x6: {  	_ = 	snop  }
0x7: {  	_ = 	snop  }
__scs_overlays_trampoline_lowered:
0x8: {  	[smem:$0x3FA9] =	sst s0  }
0x9: {  	[smem:$0x3FAA] =	sst s1  }
0xa: {  	[smem:$0x3FAB] =	sst s2  }
0xb: {  	[smem:$0x3FAC] =	sst s3  }
0xc: {  	[smem:$0x3FAD] =	sst s4  }
0xd: {  	[smem:$0x3FAE] =	sst s5  }
0xe: {  	[smem:$0x3FAF] =	sst s6  }
0xf: {  	[smem:$0x3FB0] =	sst s7  }
0x10: {  	[smem:$0x3FB1] =	sst s8  }
0x11: {  	[smem:$0x3FB2] =	sst s9;
	s0 =	simm.s32 @!p0 $0x0  }
0x12: {  	s1 =	sld [smem:$0x3F98];
	s0 =	simm.s32 @p0 $0x1  }
0x13: {  	[smem:$0x3FB3] =	sst s0;
	s0 =	simm.s32 @!p1 $0x0  }
0x14: {  	s2 =	sld [smem:$0x3F97];
	s0 =	simm.s32 @p1 $0x1  }
0x15: {  	[smem:$0x3FB4] =	sst s0;
	s0 =	simm.s32 @!p2 $0x0  }
0x16: {  	s3 =	sld [smem:$0x3FDB];
	s0 =	simm.s32 @p2 $0x1  }
0x17: {  	s4 =	simm.s32 $0x1BF5;
	[smem:$0x3FB6] =	sst s0  }
0x18: {  	s0 =	sld [smem:$0x3F99];
	_ =	swait.ge [sflag:s4], $0x0  }
0x19: {  	s7 =	sld [smem:$0x3F9A]  }
0x1a: {  	s8 =	sadd.s32 $0xFFFFE003, lr  }
0x1b: {  	s9 =	sadd.s32 $0xFFFFFEF7, lr;
	s5 =	simm.s32 $0xFFFFFFFF;
	p2 =	slt.u32 s8, $0xFFFFF086  }
0x1c: {  	p1 =	slt.u32 s9, $0xF7A;
	s5 =	simm.s32 @!p2 $0x0  }
0x1d: {  	s5 =	simm.s32 @p1 $0x1;
	p0 =	seq.s32 s7, s2  }
0x1e: {  	s7 =	smul.u32 @!p0 $0xF7A, s2;
	p2 =	seq.s32 @!p0 s5, $0x0  }
0x1f: {  	s9 =	smul.u32 $0xF7A, s1;
	s8 =	simm.s32 @!p0 $0x1BF5;
	p2 =	por !p2, p0  }
0x20: {  	[sflag:s8] =	ssyncset.s32 @!p0 $0xFFFFF086;
	s6 =	sadd.s32 @!p0 s3, s7;
	s7 =	simm.s32 @!p0 $0x108  }
0x21: {  	s3 =	sadd.s32 s3, s9;
	s6 =	sadd.s32 @!p0 $0x88, s6;
	s7 =	simm.s32 @p2 $0x1082  }
0x22: {  	[simem:s7], [sflag:s8] =	dma.local @!p0 [hbm:s6], $0xF7A  }
0x23: {  	s9 =	sor.u32 $0xD0000000, s2;
	s6 =	simm.s32 $0x108;
	_ =	swait.ge @!p0 [sflag:s8], $0x0  }
0x24: {  	s3 =	sadd.s32 $0x88, s3;
	s6 =	simm.s32 @!p1 $0x1082;
	[sflag:s4] =	ssyncset.s32 $0xFFFFF086  }
0x25: {  	[simem:s6], [sflag:s4] =	dma.local [hbm:s3], $0xF7A  }
0x26: {  	[smem:$0x3F9A] =	sst s1;
	(tag) =	ssettag s2;
	_ =	strace s9  }
0x27: {  	s1 =	sld [smem:$0x3FAA]  }
0x28: {  	s2 =	sld [smem:$0x3FAB]  }
0x29: {  	s4 =	sld [smem:$0x3FAD]  }
0x2a: {  	p0 =	seq.s32 s5, $0x0;
	s5 =	sld [smem:$0x3FAE]  }
0x2b: {  	s6 =	sld [smem:$0x3FAF]  }
0x2c: {  	s7 =	sld [smem:$0x3FB0]  }
0x2d: {  	s3 =	simm.s32 $0x108;
	s8 =	sld [smem:$0x3FB1]  }
0x2e: {  	s3 =	simm.s32 @!p0 $0x1082;
	s9 =	sld [smem:$0x3FB2]  }
0x2f: {  	lr =	sadd.s32 s0, s3;
	s0 =	sld [smem:$0x3FA9]  }
0x30: {  	s3 =	sld [smem:$0x3FAC]  }
0x31: {  	[smem:$0x3FB5] =	sst s10  }
0x32: {  	s10 =	sld [smem:$0x3FB3];
	_ =	sdelay $0x3  }
0x33: {  	p0 =	seq.s32 s10, $0x1;
	s10 =	sld [smem:$0x3FB5];
	_ =	sdelay $0x3  }
0x34: {  	[smem:$0x3FB5] =	sst s10  }
0x35: {  	s10 =	sld [smem:$0x3FB4];
	_ =	sdelay $0x3  }
0x36: {  	p1 =	seq.s32 s10, $0x1;
	s10 =	sld [smem:$0x3FB5];
	_ =	sdelay $0x3  }
0x37: {  	[smem:$0x3FB5] =	sst s10  }
0x38: {  	s10 =	sld [smem:$0x3FB6]  }
0x39: {  	_ = 	snop;
	(pc) =	sbr.ind lr, $3  }
0x3a: {  	_ = 	snop  }
0x3b: {  	_ = 	snop  }
0x3c: {  	p2 =	seq.s32 s10, $0x1;
	s10 =	sld [smem:$0x3FB5]  }
0x3d: {  	_ =	shalt  }
0x3e: {  	_ =	shalt  }
0x3f: {  	_ =	shalt  }
0x40: {  	_ =	shalt  }
0x41: {  	_ =	shalt  }
0x42: {  	_ =	shalt  }
0x43: {  	_ =	shalt  }
0x44: {  	_ =	shalt  }
0x45: {  	_ =	shalt  }
0x46: {  	_ =	shalt  }
0x47: {  	_ =	shalt  }
0x48: {  	_ =	shalt  }
0x49: {  	_ =	shalt  }
0x4a: {  	_ =	shalt  }
0x4b: {  	_ =	shalt  }
0x4c: {  	_ =	shalt  }
0x4d: {  	_ =	shalt  }
0x4e: {  	_ =	shalt  }
0x4f: {  	_ =	shalt  }
0x50: {  	_ =	shalt  }
0x51: {  	_ =	shalt  }
0x52: {  	_ =	shalt  }
0x53: {  	_ =	shalt  }
0x54: {  	_ =	shalt  }
0x55: {  	_ =	shalt  }
0x56: {  	_ =	shalt  }
0x57: {  	_ =	shalt  }
0x58: {  	_ =	shalt  }
0x59: {  	_ =	shalt  }
0x5a: {  	_ =	shalt  }
0x5b: {  	_ =	shalt  }
0x5c: {  	_ =	shalt  }
0x5d: {  	_ =	shalt  }
0x5e: {  	_ =	shalt  }
0x5f: {  	_ =	shalt  }
0x60: {  	_ =	shalt  }
0x61: {  	_ =	shalt  }
0x62: {  	_ =	shalt  }
0x63: {  	_ =	shalt  }
0x64: {  	_ =	shalt  }
0x65: {  	_ =	shalt  }
0x66: {  	_ =	shalt  }
0x67: {  	_ =	shalt  }
0x68: {  	_ =	shalt  }
0x69: {  	_ =	shalt  }
0x6a: {  	_ =	shalt  }
0x6b: {  	_ =	shalt  }
0x6c: {  	_ =	shalt  }
0x6d: {  	_ =	shalt  }
0x6e: {  	_ =	shalt  }
0x6f: {  	_ =	shalt  }
0x70: {  	_ =	shalt  }
0x71: {  	_ =	shalt  }
0x72: {  	_ =	shalt  }
0x73: {  	_ =	shalt  }
0x74: {  	_ =	shalt  }
0x75: {  	_ =	shalt  }
0x76: {  	_ =	shalt  }
0x77: {  	_ =	shalt  }
0x78: {  	_ =	shalt  }
0x79: {  	_ =	shalt  }
0x7a: {  	_ =	shalt  }
0x7b: {  	_ =	shalt  }
0x7c: {  	_ =	shalt  }
0x7d: {  	_ =	shalt  }
0x7e: {  	_ =	shalt  }
0x7f: {  	_ =	shalt  }
0x80: {  	_ =	shalt  }
0x81: {  	_ =	shalt  }
0x82: {  	_ =	shalt  }
0x83: {  	_ =	shalt  }
0x84: {  	_ =	shalt  }
0x85: {  	_ =	shalt  }
0x86: {  	_ =	shalt  }
0x87: {  	_ =	shalt  }
.Lfunc_end0:
.L_simem_size_0:
called_computation_lowered:
.L_overlay_start_0:
0x88: {  	s2 =	sld [smem:$0x3FD9]  }
0x89: {  	s3 =	sld [smem:$0x3FFE];
	_ =	sdelay $0x1  }
0x8a: {  	s1 =	srdreg.scid  }
0x8b: {  	s0 =	sand.u32 $0x1, s1  }
0x8c: {  	s15 =	sshll.u32 s0, $0xA;
	s2 =	sadd.s32 s3, s2  }
0x8d: {  	s2 =	sadd.s32 s2, s15  }
0x8e: {  	[smem:$0x3FC1] =	sst s2  }
0x8f: {  	_ = 	snop  }
0x90: {  	s2 =	sld [smem:$0x3FD0];
	_ =	sdelay $0x2  }
0x91: {  	s16 =	simm.s32 $0xA;
	s4 =	simm.s32 $0x10  }
0x92: {  	[smem:s4], [sflag:s16] =	dma.local [hbm:s2], $0x1  }
0x93: {  	_ =	swait.eq [sflag:s16], $0x1  }
0x94: {  	[sflag:s16] =	ssyncset.done $0x0  }
0x95: {  	s17 =	sld [smem:$0x10];
	[sflag:s16] =	ssyncadd.s32 $0xFFFFFFFF  }
0x96: {  	s18 =	sld [smem:$0x11];
	(tm) =	ssettm $0x1  }
0x97: {  	s19 =	sld [smem:$0x3FFB];
	_ =	sdelay $0x3  }
0x98: {  	_ =	strace s19  }
0x99: {  	s4 =	sld [smem:$0x3FFC];
	_ =	sdelay $0x3  }
0x9a: {  	_ =	strace s4  }
0x9b: {  	s4 =	sld [smem:$0x3FFD];
	_ =	sdelay $0x3  }
0x9c: {  	_ =	strace s4  }
0x9d: {  	_ =	strace $0x8FFFFFFF  }
0x9e: {  	s20 =	sld [smem:$0x3FDB];
	_ =	sdelay $0x1  }
0x9f: {  	s5 =	simm.s32 $_scs_section_size  }
0xa0: {  	s6 =	simm.s32 $_size__tile_overlayer_lowered;
	s7 =	simm.s32 $_tile_overlayer_lowered  }
0xa1: {  	s23 =	simm.s32 $0x1BFF;
	s22 =	sshll.u32 s7, $0x1;
	s4 =	sadd.s32 s5, s20  }
0xa2: {  	s8 =	simm.s32 $0x0;
	s21 =	sshll.u32 s6, $0x1;
	s6 =	sadd.s32 s22, s4  }
0xa3: {  	[timem:s8], [sflag:s23] =	dma.local [hbm:s6], s21  }
0xa4: {  	_ =	swait.ge [sflag:s23], s21  }
0xa5: {  	s5 =	ssub.s32 $0x0, s21;
	[sflag:s23] =	ssyncset.done $0x0  }
0xa6: {  	[sflag:s23] =	ssyncadd.s32 s5;
	_ =	sdelay $0x1  }
0xa7: {  	s24 =	simm.s32 $0x1B8B  }
0xa8: {  	_ =	swait.ge [sflag:s24], $0x1  }
0xa9: {  	[sflag:s24] =	ssyncset.done $0x0  }
0xaa: {  	s25 =	simm.s32 $0x1B8E;
	[sflag:s24] =	ssyncadd.s32 $0xFFFFFFFF  }
0xab: {  	s26 =	simm.s32 $execute0_lowered;
	[smem:$0x3FD2] =	sst s25  }
0xac: {  	s5 =	sshll.u32 s26, $0x1;
	_ =	strace $0x80000046;
	[dreg:$0x1] =	wrdreg $0xFFFFFFFF  }
0xad: {  	s28 =	simm.s32 $_size_execute0_lowered;
	s4 =	sadd.s32 s4, s5;
	[dreg:$0x0] =	wrdreg $0x0  }
0xae: {  	s5 =	sshll.u32 s28, $0x1;
	[dreg:$0x2] =	wrdreg s4  }
0xaf: {  	[dreg:$0x3] =	wrdreg s5  }
0xb0: {  	[dreg:$0x4] =	wrdreg $0xC0  }
0xb1: {  	_ =	task [dreg:s8], $0x5FFFF  }
0xb2: {  	[dreg:$0x1] =	wrdreg $0xFFFFFFFF  }
0xb3: {  	[dreg:$0x0] =	wrdreg $0x60  }
0xb4: {  	[dreg:$0x2] =	wrdreg s17  }
0xb5: {  	[dreg:$0x3] =	wrdreg s18  }
0xb6: {  	[dreg:$0x4] =	wrdreg $0x9  }
0xb7: {  	_ =	task.clear_ibuf [dreg:s8], $0x5FFFF;
	_ =	strace $0x90000046  }
0xb8: {  	s29 =	simm.s32 $0x9;
	_ =	strace $0x80000048  }
0xb9: {  	_ =	swait.ge [sflag:s29], $0x1  }
0xba: {  	[sflag:s29] =	ssyncadd.s32 $0xFFFFFFFF  }
0xbb: {  	_ =	strace $0x90000048  }
0xbc: {  	_ =	sfence  }
0xbd: {  	s30 =	sld [smem:$0x0];
	_ =	sdelay $0x2  }
0xbe: {  	s31 =	sshll.u32 s1, $0xD;
	s1 =	sshrl.u32 s1, $0x2  }
0xbf: {  	s3 =	sand.u32 $0x4000, s31;
	s1 =	sadd.s32 s1, s30  }
0xc0: {  	s0 =	sor.u32 s3, s0;
	s1 =	sshll.u32 s1, $0x11  }
0xc1: {  	s0 =	sor.u32 s1, s0  }
0xc2: {  	s0 =	sadd.s32 $0x8F2B, s0  }
0xc3: {  	[sflag:s0] =	ssyncadd.remote.s32 $0x1  }
0xc4: {  	_ =	sfence.sel $0xFFFF  }
0xc5: {  	[dreg:$0x0] =	wrdreg $0xFFFFFFFF;
	(pc) =	sbr.abs _section_cstart, $3  }
0xc6: {  	[dreg:$0x1] =	wrdreg $0xFFFFFFFF  }
0xc7: {  	_ =	task.clear_ibuf [dreg:s8], $0x2FFFF;
	_ =	strace $0x9FFFFFFF  }
0xc8: {  	(tm) =	ssettm $0x7FFFFFFF  }
0xc9: {  	_ =	shalt  }
tec
execute0_lowered:
.L_overlay_start_1:
0x0: {  	(tag) =	ssettag $0x1  }
0x1: {  	s0 =	srdreg.scid  }
0x2: {  	s4 =	sand.u32 $0x1, s0;
	s0 =	stileid.u32  }
0x3: {  	s5 =	sor.u32 s0, s4  }
0x4: {  	p0 =	sne.s32 s5, $0x0  }
.Ltmp0:
0x5: {  	_ = 	snop;
	(pc) =	sbr.rel @p0 .LBB2_7-.Ltmp0, $4  }
0x6: {  	_ = 	snop  }
0x7: {  	s2 =	rddreg [dreg:$0x0]  }
0x8: {  	s3 =	rddreg [dreg:$0x1]  }
0x9: {  	s1 =	rddreg [dreg:$0x2];
	_ =	strace $0x80000047  }
0xa: {  	s4 =	ssub.s32 $0x2, s4  }
0xb: {  	s6 =	simm.s32 $0x1;
	s7 =	simm.s32 $0x2000;
	s5 =	sshrl.u32 s4, $0x1  }
0xc: {  	v0 =	vimm.f32 $0.0e+00;
	v1 =	vimm.f32 $1.000000000e+00;
	s8 =	simm.s32 $0x0;
	s4 =	ssub.s32 s4, s5;
	s5 =	simm.s32 $0x0  }
.LBB2_2:
0xd: {  	[tilespmem:s5], [sflag:$0x1] =	stream.linear.gather [hbm4b:s2+s5], $0x2000, $0x38;
	[tilespmem:$0x4000] =	vst v63  }
0xe: {  	_ =	swait.ge [sflag:s6], $0x2000  }
0xf: {  	[sflag:s6] =	ssyncset.done $0x0  }
0x10: {  	s9 =	simm.s32 $0x0;
	[sflag:s6] =	ssyncadd.s32 $0xFFFFE000  }
.LBB2_3:
0x11: {  	p0 =	sne.s32 s9, $0x7FC0  }
.Ltmp1:
0x12: {  	_ = 	snop;
	(pc) =	sbr.rel @p0 .LBB2_3-.Ltmp1, $3  }
0x13: {  	_ =	sdelay $0x1  }
0x14: {  	s10 =	sshra.s32 s9, $0x2  }
0x15: {  	s9 =	sadd.s32 $0x40, s9;
	[tilespmem:s10+$0x2000] =	vst v0  }
0x16: {  	s9 =	simm.s32 $0x0  }
0x17: {  	s10 =	simm.s32 $0x10;
	v2 =	vld [tilespmem:s9+$0x0];
	s11 =	sand.u32 $0xFF0, s9  }
.LBB2_5:
0x18: {  	p0 =	sne.s32 s10, $0xFF0;
	v3 =	vld [tilespmem:s11+$0x1000];
	_ =	sdelay $0x3  }
0x19: {  	v2 =	vshll.u32 v2, $0xB  }
0x1a: {  	v2 =	vadd.s32 v3, v2;
	_ =	sdelay $0x1  }
.Ltmp2:
0x1b: {  	(pc) =	sbr.rel @p0 .LBB2_5-.Ltmp2, $3  }
0x1c: {  	_ =	sdelay $0x1  }
0x1d: {  	s9 =	sadd.s32 $0x10, s9;
	[tilespmem:v2+s7+$0x0] =	vst.idx.msk $0xffff, v1  }
0x1e: {  	s11 =	sand.u32 $0xFF0, s10;
	s10 =	sadd.s32 $0x10, s10;
	v2 =	vld [tilespmem:s9+$0x0]  }
0x1f: {  	v3 =	vld [tilespmem:s11+$0x1000];
	_ =	sdelay $0x3  }
0x20: {  	v2 =	vshll.u32 v2, $0xB  }
0x21: {  	v2 =	vadd.s32 v3, v2;
	_ =	sdelay $0x2  }
0x22: {  	s8 =	sadd.s32 $0x1, s8  }
0x23: {  	p0 =	sne.s32 s8, s4  }
.Ltmp3:
0x24: {  	[tilespmem:v2+s7+$0x0] =	vst.idx.msk $0xffff, v1;
	(pc) =	sbr.rel @p0 .LBB2_2-.Ltmp3, $4  }
0x25: {  	[hbm4b:s3+s5] =	stream.linear.scatter [tilespmem:s7], [sflag:$0x1], $0x2000, $0x38;
	[tilespmem:$0x4000] =	vst v63  }
0x26: {  	_ =	swait.ge [sflag:s6], $0x2000  }
0x27: {  	[sflag:s6] =	ssyncset.done $0x0  }
0x28: {  	[sflag:s6] =	ssyncadd.s32 $0xFFFFE000  }
.LBB2_7:
0x29: {  	_ =	sfence.sel $0x180000  }
0x2a: {  	[bflag:$0x0] =	sbarrier.arrive $0xFFFF  }
0x2b: {  	p0 =	sne.s32 s0, $0x0;
	_ =	strace $0x90000047  }
0x2c: {  	s0 =	sadd.s32 @!p0 $0x100000, s1;
	[bflag:$0x2] =	sbarrier.arrive $0xFFFF  }
0x2d: {  	[sflag:s0] =	ssyncadd.tile.s32 @!p0 $0x1;
	_ =	shalt  }
.Lfunc_end2:
_tile_overlayer_lowered:
.L_overlay_start_2:
0x2e: {  	(tag) =	ssettag $0x2  }
0x2f: {  	s0 =	rddreg [dreg:$0x0];
	s2 =	stileid.u32  }
0x30: {  	s1 =	rddreg [dreg:$0x1];
	p0 =	sne.s32 s2, $0x0  }
0x31: {  	s3 =	rddreg [dreg:$0x2];
	[bflag:$0x3] =	sbarrier.arrive $0xFFFF;
	s2 =	simm.s32 @!p0 $0x1C01  }
0x32: {  	[timem:s3], [sflag:s2] =	dma.local @!p0 [hbm:s0], s1  }
0x33: {  	s0 =	simm.s32 @!p0 $0x1  }
0x34: {  	_ =	swait.ge @!p0 [sflag:s0], s1  }
0x35: {  	s1 =	ssub.s32 @!p0 $0x0, s1;
	[sflag:s0] =	ssyncset.done @!p0 $0x0  }
0x36: {  	[sflag:s0] =	ssyncadd.s32 @!p0 s1  }
0x37: {  	[bflag:$0x3] =	sbarrier.arrive $0xFFFF  }
0x38: {  	_ =	shalt  }

</sc_bundles>
